<compile_context>
chip_gen: v7x
topology: tpu7x:2x2x1
jax: 0.10.2.dev20260603
libtpu: 0.0.44.dev20260713+nightly
codegen_flags: <defaults>
</compile_context>

<pallas_src>
import functools

import jax
import jax.numpy as jnp
import numpy as np
from jax import lax
from jax.experimental import pallas as pl
from jax.experimental.pallas import tpu as pltpu
from jax.experimental.pallas import tpu_sc as plsc

_N = 8192
_B = 16384
_D = 128
_M = _B - _N

_NC = 2
_NS = 16
_NW = _NC * _NS
_BPW = _N // _NW
_CHUNK = 128
_K = _BPW // _CHUNK


def _rotl32(x: np.ndarray, d: int) -> np.ndarray:
    return ((x << np.uint32(d)) | (x >> np.uint32(32 - d))).astype(np.uint32)


def _threefry2x32(k0: int, k1: int, x0: np.ndarray, x1: np.ndarray):
    rot_a, rot_b = (13, 15, 26, 6), (17, 29, 16, 24)
    ks = [np.uint32(k0), np.uint32(k1),
          np.uint32(np.uint32(k0) ^ np.uint32(k1) ^ np.uint32(0x1BD11BDA))]
    x = [(x0 + ks[0]).astype(np.uint32), (x1 + ks[1]).astype(np.uint32)]

    def rounds(x, rots):
        for r in rots:
            x[0] = (x[0] + x[1]).astype(np.uint32)
            x[1] = _rotl32(x[1], r)
            x[1] = (x[0] ^ x[1]).astype(np.uint32)
        return x

    for i, rots in enumerate((rot_a, rot_b, rot_a, rot_b, rot_a)):
        x = rounds(x, rots)
        x[0] = (x[0] + ks[(i + 1) % 3]).astype(np.uint32)
        x[1] = (x[1] + ks[(i + 2) % 3] + np.uint32(i + 1)).astype(np.uint32)
    return x


def _uniform_key1(m: int) -> np.ndarray:
    i = np.arange(m, dtype=np.uint64)
    hi = (i >> np.uint64(32)).astype(np.uint32)
    lo = (i & np.uint64(0xFFFFFFFF)).astype(np.uint32)
    o0, o1 = _threefry2x32(0, 1, hi, lo)
    bits = o0 ^ o1
    return (((bits >> np.uint32(9)) | np.uint32(0x3F800000)).view(np.float32)
            - np.float32(1.0))


def _build_gather_map() -> np.ndarray:
    u = _uniform_key1(_M)
    sizes = (_N + np.arange(_M) + 1).astype(np.float32)
    idxs = np.floor(u * sizes).astype(np.int32)
    idxs = np.minimum(idxs, (sizes - 1).astype(np.int32))
    g = np.arange(_N, dtype=np.int32)
    for j in range(_M):
        if idxs[j] < _N:
            g[idxs[j]] = _N + j
    g32 = g.reshape(-1, 2, 16).astype(np.uint32)
    packed = g32[:, 0, :] | (g32[:, 1, :] << np.uint32(16))
    return packed.reshape(-1).view(np.int32)


_GATHER_MAP = _build_gather_map()

_MESH = plsc.VectorSubcoreMesh(core_axis_name="c", subcore_axis_name="s")


@functools.partial(
    pl.kernel,
    mesh=_MESH,
    out_type=jax.ShapeDtypeStruct((_N, _D), jnp.float32),
    scratch_types=[
        pltpu.VMEM((_BPW // 2,), jnp.int32),
        pltpu.VMEM((_BPW,), jnp.int32),
        pltpu.VMEM((_BPW, _D), jnp.float32),
        pltpu.SemaphoreType.DMA,
        pltpu.SemaphoreType.DMA,
    ],
)
def _gather_rows(samples_hbm, idx_hbm, out_hbm, idxp_v, idx_v, rows_v,
                 gsem, wsem):
    wid = lax.axis_index("s") * _NC + lax.axis_index("c")
    base = wid * _BPW
    pltpu.sync_copy(idx_hbm.at[pl.ds(wid * (_BPW // 2), _BPW // 2)], idxp_v)
    for k in range(_BPW // 32):
        v = idxp_v[pl.ds(k * 16, 16)]
        idx_v[pl.ds(k * 32, 16)] = v & 0xFFFF
        idx_v[pl.ds(k * 32 + 16, 16)] = lax.shift_right_logical(v, 16)
    gathers = [
        pltpu.async_copy(
            samples_hbm.at[idx_v.at[pl.ds(j * _CHUNK, _CHUNK)]],
            rows_v.at[pl.ds(j * _CHUNK, _CHUNK)],
            gsem,
        )
        for j in range(_K)
    ]
    writes = []
    for j in range(_K):
        gathers[j].wait()
        writes.append(
            pltpu.async_copy(
                rows_v.at[pl.ds(j * _CHUNK, _CHUNK)],
                out_hbm.at[pl.ds(base + j * _CHUNK, _CHUNK)],
                wsem,
            )
        )
    for w in writes:
        w.wait()


def kernel(samples):
    return _gather_rows(samples, jnp.asarray(_GATHER_MAP))

# --- scband reference (transcript-rebuilt; emitter-appended) ---
"""Pipeline reference for scband-reservoir-sampler-53171695125220 (READ-ONLY COPY).

The authoritative reference and input builder live on the scoring server;
editing this copy changes nothing except your own understanding.
"""

import jax, jax.numpy as jnp
import numpy as np

N_RESERVOIR = 8192


def setup_inputs(seed: int = 0) -> dict:
    key = jax.random.key(seed)
    samples = jax.random.normal(key, (16384, 128), dtype=jnp.float32)
    return {"samples": samples}


def _reservoir_indices(n, m):
    # Mirrors: for j-th extra sample, idx = randint(0, i) inclusive, where i = n + j.
    # Python's random.randint(0, i) is uniform over i+1 values; we reproduce that
    # deterministically with the jax PRNG.
    u = jax.random.uniform(jax.random.key(1), (m,))
    sizes = (n + jnp.arange(m) + 1).astype(jnp.float32)
    idxs = jnp.floor(u * sizes).astype(jnp.int32)
    idxs = jnp.minimum(idxs, (sizes - 1).astype(jnp.int32))
    return idxs


def reference(samples):
    # ReservoirSampler.add(samples) followed by contents().
    n = N_RESERVOIR
    B, d = samples.shape
    # First n samples fill the empty buffer directly.
    buffer = samples[:n]
    rest = samples[n:]
    m = B - n
    idxs = _reservoir_indices(n, m)

    # Sequential scatter-overwrite semantics (later writes win), as in the
    # original per-sample loop: if idx < len(buffer): buffer[idx] = s
    def step(buf, xs):
        idx, s = xs
        write = idx < n
        safe = jnp.where(write, idx, 0)
        row = jnp.where(write, s, buf[safe])
        buf = buf.at[safe].set(row)
        return buf, None

    buffer, _ = jax.lax.scan(step, buffer, (idxs, rest))
    # i = B >= n, so contents() == buffer[:n] == buffer
    return buffer

if __name__ == "__main__":
    import jax
    _d = setup_inputs()
    print(jax.jit(kernel)(*tuple(_d.values())))

</pallas_src>

<mosaic_0001>
#map = affine_map<(d0, d1) -> (0, 0)>
#map1 = affine_map<(d0, d1) -> (0)>
module attributes {stable_mosaic.version = 14 : i64} {
  func.func @_gather_rows(%arg0: i32, %arg1: i32, %arg2: memref<16384x128xf32, #tpu.memory_space<hbm>>, %arg3: memref<4096xi32, #tpu.memory_space<hbm>>, %arg4: memref<8192x128xf32, #tpu.memory_space<hbm>>, %arg5: memref<128xi32, #tpu.memory_space<vmem>>, %arg6: memref<256xi32, #tpu.memory_space<vmem>>, %arg7: memref<256x128xf32, #tpu.memory_space<vmem>>, %arg8: memref<!tpu.dma_semaphore, #tpu.memory_space<semaphore_mem>>, %arg9: memref<!tpu.dma_semaphore, #tpu.memory_space<semaphore_mem>>) attributes {dimension_semantics = [#tpu.dimension_semantics<core_parallel>, #tpu.dimension_semantics<subcore_parallel>], iteration_bounds = array<i64: 2, 16>, scalar_prefetch = 0 : i64, scratch_operands = 5 : i64, tpu.core_type = #tpu.core_type<sc_vector_subcore>, window_params = [{transform_indices = #map}, {transform_indices = #map1}, {transform_indices = #map}]} {
    %mul3A = arith.constant 2 : i32
    %mul3A_0 = arith.muli %arg1, %mul3A : i32
    %add3A = arith.addi %mul3A_0, %arg0 : i32
    %mul3A_1 = arith.constant 256 : i32
    %mul3A_2 = arith.muli %add3A, %mul3A_1 : i32
    %mul3A_3 = arith.constant 128 : i32
    %mul3A_4 = arith.muli %add3A, %mul3A_3 : i32
    "tpu.region"() ({
      %run_scoped3A = tpu.sem_alloc : memref<!tpu.dma_semaphore, #tpu.memory_space<semaphore_mem>>
      %dma_start3A_211 = tpu.memref_slice %arg3[%mul3A_4] : memref<4096xi32, #tpu.memory_space<hbm>> -> memref<128xi32, #tpu.memory_space<hbm>>
      %dma_start3A_212 = tpu.memref_slice %arg3[%mul3A_4] : memref<4096xi32, #tpu.memory_space<hbm>> -> memref<128xi32, #tpu.memory_space<hbm>>
      tpu.enqueue_dma source(%dma_start3A_212 : memref<128xi32, #tpu.memory_space<hbm>>) target(%arg5 : memref<128xi32, #tpu.memory_space<vmem>>) target_semaphore(%run_scoped3A : memref<!tpu.dma_semaphore, #tpu.memory_space<semaphore_mem>>)
      %dma_wait3A_213 = tpu.memref_slice %arg3[%mul3A_4] : memref<4096xi32, #tpu.memory_space<hbm>> -> memref<128xi32, #tpu.memory_space<hbm>>
      %dma_wait3A_214 = tpu.memref_slice %arg3[%mul3A_4] : memref<4096xi32, #tpu.memory_space<hbm>> -> memref<128xi32, #tpu.memory_space<hbm>>
      tpu.wait_dma2 semaphore(%run_scoped3A : memref<!tpu.dma_semaphore, #tpu.memory_space<semaphore_mem>>) src(%dma_wait3A_214 : memref<128xi32, #tpu.memory_space<hbm>>) dst(%arg5 : memref<128xi32, #tpu.memory_space<vmem>>)
      tpu.yield
    }) : () -> ()
    %get3A = arith.constant 0 : index
    %get3A_5 = tpu.vector_load %arg5[%get3A] {strides = array<i32>} : memref<128xi32, #tpu.memory_space<vmem>>, vector<16xi32>,
    %get3A_6 = vector.shape_cast %get3A_5 : vector<16xi32> to vector<16xi32>
    %and3A = arith.constant 65535 : i32
    %and3A_7 = vector.broadcast %and3A : i32 to vector<16xi32>
    %and3A_8 = arith.andi %get3A_6, %and3A_7 : vector<16xi32>
    %swap3A = arith.constant 0 : index
    %swap3A_9 = tpu.vector_load %arg6[%swap3A] {strides = array<i32>} : memref<256xi32, #tpu.memory_space<vmem>>, vector<16xi32>,
    %swap3A_10 = vector.shape_cast %swap3A_9 : vector<16xi32> to vector<16xi32>
    %swap3A_11 = vector.shape_cast %and3A_8 : vector<16xi32> to vector<16xi32>
    tpu.vector_store %arg6[%swap3A], %swap3A_11 {strides = array<i32>} : memref<256xi32, #tpu.memory_space<vmem>>, vector<16xi32>,
    %shift_right_logical3A = arith.constant 16 : i32
    %shift_right_logical3A_12 = vector.broadcast %shift_right_logical3A : i32 to vector<16xi32>
    %shift_right_logical3A_13 = arith.shrui %get3A_6, %shift_right_logical3A_12 : vector<16xi32>
    %swap3A_14 = arith.constant 16 : index
    %swap3A_15 = tpu.vector_load %arg6[%swap3A_14] {strides = array<i32>} : memref<256xi32, #tpu.memory_space<vmem>>, vector<16xi32>,
    %swap3A_16 = vector.shape_cast %swap3A_15 : vector<16xi32> to vector<16xi32>
    %swap3A_17 = vector.shape_cast %shift_right_logical3A_13 : vector<16xi32> to vector<16xi32>
    tpu.vector_store %arg6[%swap3A_14], %swap3A_17 {strides = array<i32>} : memref<256xi32, #tpu.memory_space<vmem>>, vector<16xi32>,
    %get3A_18 = arith.constant 16 : index
    %get3A_19 = tpu.vector_load %arg5[%get3A_18] {strides = array<i32>} : memref<128xi32, #tpu.memory_space<vmem>>, vector<16xi32>,
    %get3A_20 = vector.shape_cast %get3A_19 : vector<16xi32> to vector<16xi32>
    %and3A_21 = arith.constant 65535 : i32
    %and3A_22 = vector.broadcast %and3A_21 : i32 to vector<16xi32>
    %and3A_23 = arith.andi %get3A_20, %and3A_22 : vector<16xi32>
    %swap3A_24 = arith.constant 32 : index
    %swap3A_25 = tpu.vector_load %arg6[%swap3A_24] {strides = array<i32>} : memref<256xi32, #tpu.memory_space<vmem>>, vector<16xi32>,
    %swap3A_26 = vector.shape_cast %swap3A_25 : vector<16xi32> to vector<16xi32>
    %swap3A_27 = vector.shape_cast %and3A_23 : vector<16xi32> to vector<16xi32>
    tpu.vector_store %arg6[%swap3A_24], %swap3A_27 {strides = array<i32>} : memref<256xi32, #tpu.memory_space<vmem>>, vector<16xi32>,
    %shift_right_logical3A_28 = arith.constant 16 : i32
    %shift_right_logical3A_29 = vector.broadcast %shift_right_logical3A_28 : i32 to vector<16xi32>
    %shift_right_logical3A_30 = arith.shrui %get3A_20, %shift_right_logical3A_29 : vector<16xi32>
    %swap3A_31 = arith.constant 48 : index
    %swap3A_32 = tpu.vector_load %arg6[%swap3A_31] {strides = array<i32>} : memref<256xi32, #tpu.memory_space<vmem>>, vector<16xi32>,
    %swap3A_33 = vector.shape_cast %swap3A_32 : vector<16xi32> to vector<16xi32>
    %swap3A_34 = vector.shape_cast %shift_right_logical3A_30 : vector<16xi32> to vector<16xi32>
    tpu.vector_store %arg6[%swap3A_31], %swap3A_34 {strides = array<i32>} : memref<256xi32, #tpu.memory_space<vmem>>, vector<16xi32>,
    %get3A_35 = arith.constant 32 : index
    %get3A_36 = tpu.vector_load %arg5[%get3A_35] {strides = array<i32>} : memref<128xi32, #tpu.memory_space<vmem>>, vector<16xi32>,
    %get3A_37 = vector.shape_cast %get3A_36 : vector<16xi32> to vector<16xi32>
    %and3A_38 = arith.constant 65535 : i32
    %and3A_39 = vector.broadcast %and3A_38 : i32 to vector<16xi32>
    %and3A_40 = arith.andi %get3A_37, %and3A_39 : vector<16xi32>
    %swap3A_41 = arith.constant 64 : index
    %swap3A_42 = tpu.vector_load %arg6[%swap3A_41] {strides = array<i32>} : memref<256xi32, #tpu.memory_space<vmem>>, vector<16xi32>,
    %swap3A_43 = vector.shape_cast %swap3A_42 : vector<16xi32> to vector<16xi32>
    %swap3A_44 = vector.shape_cast %and3A_40 : vector<16xi32> to vector<16xi32>
    tpu.vector_store %arg6[%swap3A_41], %swap3A_44 {strides = array<i32>} : memref<256xi32, #tpu.memory_space<vmem>>, vector<16xi32>,
    %shift_right_logical3A_45 = arith.constant 16 : i32
    %shift_right_logical3A_46 = vector.broadcast %shift_right_logical3A_45 : i32 to vector<16xi32>
    %shift_right_logical3A_47 = arith.shrui %get3A_37, %shift_right_logical3A_46 : vector<16xi32>
    %swap3A_48 = arith.constant 80 : index
    %swap3A_49 = tpu.vector_load %arg6[%swap3A_48] {strides = array<i32>} : memref<256xi32, #tpu.memory_space<vmem>>, vector<16xi32>,
    %swap3A_50 = vector.shape_cast %swap3A_49 : vector<16xi32> to vector<16xi32>
    %swap3A_51 = vector.shape_cast %shift_right_logical3A_47 : vector<16xi32> to vector<16xi32>
    tpu.vector_store %arg6[%swap3A_48], %swap3A_51 {strides = array<i32>} : memref<256xi32, #tpu.memory_space<vmem>>, vector<16xi32>,
    %get3A_52 = arith.constant 48 : index
    %get3A_53 = tpu.vector_load %arg5[%get3A_52] {strides = array<i32>} : memref<128xi32, #tpu.memory_space<vmem>>, vector<16xi32>,
    %get3A_54 = vector.shape_cast %get3A_53 : vector<16xi32> to vector<16xi32>
    %and3A_55 = arith.constant 65535 : i32
    %and3A_56 = vector.broadcast %and3A_55 : i32 to vector<16xi32>
    %and3A_57 = arith.andi %get3A_54, %and3A_56 : vector<16xi32>
    %swap3A_58 = arith.constant 96 : index
    %swap3A_59 = tpu.vector_load %arg6[%swap3A_58] {strides = array<i32>} : memref<256xi32, #tpu.memory_space<vmem>>, vector<16xi32>,
    %swap3A_60 = vector.shape_cast %swap3A_59 : vector<16xi32> to vector<16xi32>
    %swap3A_61 = vector.shape_cast %and3A_57 : vector<16xi32> to vector<16xi32>
    tpu.vector_store %arg6[%swap3A_58], %swap3A_61 {strides = array<i32>} : memref<256xi32, #tpu.memory_space<vmem>>, vector<16xi32>,
    %shift_right_logical3A_62 = arith.constant 16 : i32
    %shift_right_logical3A_63 = vector.broadcast %shift_right_logical3A_62 : i32 to vector<16xi32>
    %shift_right_logical3A_64 = arith.shrui %get3A_54, %shift_right_logical3A_63 : vector<16xi32>
    %swap3A_65 = arith.constant 112 : index
    %swap3A_66 = tpu.vector_load %arg6[%swap3A_65] {strides = array<i32>} : memref<256xi32, #tpu.memory_space<vmem>>, vector<16xi32>,
    %swap3A_67 = vector.shape_cast %swap3A_66 : vector<16xi32> to vector<16xi32>
    %swap3A_68 = vector.shape_cast %shift_right_logical3A_64 : vector<16xi32> to vector<16xi32>
    tpu.vector_store %arg6[%swap3A_65], %swap3A_68 {strides = array<i32>} : memref<256xi32, #tpu.memory_space<vmem>>, vector<16xi32>,
    %get3A_69 = arith.constant 64 : index
    %get3A_70 = tpu.vector_load %arg5[%get3A_69] {strides = array<i32>} : memref<128xi32, #tpu.memory_space<vmem>>, vector<16xi32>,
    %get3A_71 = vector.shape_cast %get3A_70 : vector<16xi32> to vector<16xi32>
    %and3A_72 = arith.constant 65535 : i32
    %and3A_73 = vector.broadcast %and3A_72 : i32 to vector<16xi32>
    %and3A_74 = arith.andi %get3A_71, %and3A_73 : vector<16xi32>
    %swap3A_75 = arith.constant 128 : index
    %swap3A_76 = tpu.vector_load %arg6[%swap3A_75] {strides = array<i32>} : memref<256xi32, #tpu.memory_space<vmem>>, vector<16xi32>,
    %swap3A_77 = vector.shape_cast %swap3A_76 : vector<16xi32> to vector<16xi32>
    %swap3A_78 = vector.shape_cast %and3A_74 : vector<16xi32> to vector<16xi32>
    tpu.vector_store %arg6[%swap3A_75], %swap3A_78 {strides = array<i32>} : memref<256xi32, #tpu.memory_space<vmem>>, vector<16xi32>,
    %shift_right_logical3A_79 = arith.constant 16 : i32
    %shift_right_logical3A_80 = vector.broadcast %shift_right_logical3A_79 : i32 to vector<16xi32>
    %shift_right_logical3A_81 = arith.shrui %get3A_71, %shift_right_logical3A_80 : vector<16xi32>
    %swap3A_82 = arith.constant 144 : index
    %swap3A_83 = tpu.vector_load %arg6[%swap3A_82] {strides = array<i32>} : memref<256xi32, #tpu.memory_space<vmem>>, vector<16xi32>,
    %swap3A_84 = vector.shape_cast %swap3A_83 : vector<16xi32> to vector<16xi32>
    %swap3A_85 = vector.shape_cast %shift_right_logical3A_81 : vector<16xi32> to vector<16xi32>
    tpu.vector_store %arg6[%swap3A_82], %swap3A_85 {strides = array<i32>} : memref<256xi32, #tpu.memory_space<vmem>>, vector<16xi32>,
    %get3A_86 = arith.constant 80 : index
    %get3A_87 = tpu.vector_load %arg5[%get3A_86] {strides = array<i32>} : memref<128xi32, #tpu.memory_space<vmem>>, vector<16xi32>,
    %get3A_88 = vector.shape_cast %get3A_87 : vector<16xi32> to vector<16xi32>
    %and3A_89 = arith.constant 65535 : i32
    %and3A_90 = vector.broadcast %and3A_89 : i32 to vector<16xi32>
    %and3A_91 = arith.andi %get3A_88, %and3A_90 : vector<16xi32>
    %swap3A_92 = arith.constant 160 : index
    %swap3A_93 = tpu.vector_load %arg6[%swap3A_92] {strides = array<i32>} : memref<256xi32, #tpu.memory_space<vmem>>, vector<16xi32>,
    %swap3A_94 = vector.shape_cast %swap3A_93 : vector<16xi32> to vector<16xi32>
    %swap3A_95 = vector.shape_cast %and3A_91 : vector<16xi32> to vector<16xi32>
    tpu.vector_store %arg6[%swap3A_92], %swap3A_95 {strides = array<i32>} : memref<256xi32, #tpu.memory_space<vmem>>, vector<16xi32>,
    %shift_right_logical3A_96 = arith.constant 16 : i32
    %shift_right_logical3A_97 = vector.broadcast %shift_right_logical3A_96 : i32 to vector<16xi32>
    %shift_right_logical3A_98 = arith.shrui %get3A_88, %shift_right_logical3A_97 : vector<16xi32>
    %swap3A_99 = arith.constant 176 : index
    %swap3A_100 = tpu.vector_load %arg6[%swap3A_99] {strides = array<i32>} : memref<256xi32, #tpu.memory_space<vmem>>, vector<16xi32>,
    %swap3A_101 = vector.shape_cast %swap3A_100 : vector<16xi32> to vector<16xi32>
    %swap3A_102 = vector.shape_cast %shift_right_logical3A_98 : vector<16xi32> to vector<16xi32>
    tpu.vector_store %arg6[%swap3A_99], %swap3A_102 {strides = array<i32>} : memref<256xi32, #tpu.memory_space<vmem>>, vector<16xi32>,
    %get3A_103 = arith.constant 96 : index
    %get3A_104 = tpu.vector_load %arg5[%get3A_103] {strides = array<i32>} : memref<128xi32, #tpu.memory_space<vmem>>, vector<16xi32>,
    %get3A_105 = vector.shape_cast %get3A_104 : vector<16xi32> to vector<16xi32>
    %and3A_106 = arith.constant 65535 : i32
    %and3A_107 = vector.broadcast %and3A_106 : i32 to vector<16xi32>
    %and3A_108 = arith.andi %get3A_105, %and3A_107 : vector<16xi32>
    %swap3A_109 = arith.constant 192 : index
    %swap3A_110 = tpu.vector_load %arg6[%swap3A_109] {strides = array<i32>} : memref<256xi32, #tpu.memory_space<vmem>>, vector<16xi32>,
    %swap3A_111 = vector.shape_cast %swap3A_110 : vector<16xi32> to vector<16xi32>
    %swap3A_112 = vector.shape_cast %and3A_108 : vector<16xi32> to vector<16xi32>
    tpu.vector_store %arg6[%swap3A_109], %swap3A_112 {strides = array<i32>} : memref<256xi32, #tpu.memory_space<vmem>>, vector<16xi32>,
    %shift_right_logical3A_113 = arith.constant 16 : i32
    %shift_right_logical3A_114 = vector.broadcast %shift_right_logical3A_113 : i32 to vector<16xi32>
    %shift_right_logical3A_115 = arith.shrui %get3A_105, %shift_right_logical3A_114 : vector<16xi32>
    %swap3A_116 = arith.constant 208 : index
    %swap3A_117 = tpu.vector_load %arg6[%swap3A_116] {strides = array<i32>} : memref<256xi32, #tpu.memory_space<vmem>>, vector<16xi32>,
    %swap3A_118 = vector.shape_cast %swap3A_117 : vector<16xi32> to vector<16xi32>
    %swap3A_119 = vector.shape_cast %shift_right_logical3A_115 : vector<16xi32> to vector<16xi32>
    tpu.vector_store %arg6[%swap3A_116], %swap3A_119 {strides = array<i32>} : memref<256xi32, #tpu.memory_space<vmem>>, vector<16xi32>,
    %get3A_120 = arith.constant 112 : index
    %get3A_121 = tpu.vector_load %arg5[%get3A_120] {strides = array<i32>} : memref<128xi32, #tpu.memory_space<vmem>>, vector<16xi32>,
    %get3A_122 = vector.shape_cast %get3A_121 : vector<16xi32> to vector<16xi32>
    %and3A_123 = arith.constant 65535 : i32
    %and3A_124 = vector.broadcast %and3A_123 : i32 to vector<16xi32>
    %and3A_125 = arith.andi %get3A_122, %and3A_124 : vector<16xi32>
    %swap3A_126 = arith.constant 224 : index
    %swap3A_127 = tpu.vector_load %arg6[%swap3A_126] {strides = array<i32>} : memref<256xi32, #tpu.memory_space<vmem>>, vector<16xi32>,
    %swap3A_128 = vector.shape_cast %swap3A_127 : vector<16xi32> to vector<16xi32>
    %swap3A_129 = vector.shape_cast %and3A_125 : vector<16xi32> to vector<16xi32>
    tpu.vector_store %arg6[%swap3A_126], %swap3A_129 {strides = array<i32>} : memref<256xi32, #tpu.memory_space<vmem>>, vector<16xi32>,
    %shift_right_logical3A_130 = arith.constant 16 : i32
    %shift_right_logical3A_131 = vector.broadcast %shift_right_logical3A_130 : i32 to vector<16xi32>
    %shift_right_logical3A_132 = arith.shrui %get3A_122, %shift_right_logical3A_131 : vector<16xi32>
    %swap3A_133 = arith.constant 240 : index
    %swap3A_134 = tpu.vector_load %arg6[%swap3A_133] {strides = array<i32>} : memref<256xi32, #tpu.memory_space<vmem>>, vector<16xi32>,
    %swap3A_135 = vector.shape_cast %swap3A_134 : vector<16xi32> to vector<16xi32>
    %swap3A_136 = vector.shape_cast %shift_right_logical3A_132 : vector<16xi32> to vector<16xi32>
    tpu.vector_store %arg6[%swap3A_133], %swap3A_136 {strides = array<i32>} : memref<256xi32, #tpu.memory_space<vmem>>, vector<16xi32>,
    %dma_start3A = arith.constant 0 : i32
    %dma_start3A_137 = arith.constant 0 : i32
    %dma_start3A_138 = tpu.memref_slice %arg7[%dma_start3A, %dma_start3A_137] : memref<256x128xf32, #tpu.memory_space<vmem>> -> memref<128x128xf32, #tpu.memory_space<vmem>>
    %dma_start3A_139 = arith.constant 0 : i32
    %dma_start3A_140 = tpu.memref_slice %arg6[%dma_start3A_139] : memref<256xi32, #tpu.memory_space<vmem>> -> memref<128xi32, #tpu.memory_space<vmem>>
    %dma_start3A_141 = arith.constant 0 : i32
    %dma_start3A_142 = arith.constant 0 : i32
    %dma_start3A_143 = tpu.memref_slice %arg2[%dma_start3A_141, %dma_start3A_142] : memref<16384x128xf32, #tpu.memory_space<hbm>> -> memref<16384x128xf32, #tpu.memory_space<hbm>>
    tpu.enqueue_indirect_dma source(%dma_start3A_143 : memref<16384x128xf32, #tpu.memory_space<hbm>>) target(%dma_start3A_138 : memref<128x128xf32, #tpu.memory_space<vmem>>) offsets(%dma_start3A_140 : memref<128xi32, #tpu.memory_space<vmem>>) semaphore(%arg8 : memref<!tpu.dma_semaphore, #tpu.memory_space<semaphore_mem>>)
    %dma_start3A_144 = arith.constant 128 : i32
    %dma_start3A_145 = arith.constant 0 : i32
    %dma_start3A_146 = tpu.memref_slice %arg7[%dma_start3A_144, %dma_start3A_145] : memref<256x128xf32, #tpu.memory_space<vmem>> -> memref<128x128xf32, #tpu.memory_space<vmem>>
    %dma_start3A_147 = arith.constant 128 : i32
    %dma_start3A_148 = tpu.memref_slice %arg6[%dma_start3A_147] : memref<256xi32, #tpu.memory_space<vmem>> -> memref<128xi32, #tpu.memory_space<vmem>>
    %dma_start3A_149 = arith.constant 0 : i32
    %dma_start3A_150 = arith.constant 0 : i32
    %dma_start3A_151 = tpu.memref_slice %arg2[%dma_start3A_149, %dma_start3A_150] : memref<16384x128xf32, #tpu.memory_space<hbm>> -> memref<16384x128xf32, #tpu.memory_space<hbm>>
    tpu.enqueue_indirect_dma source(%dma_start3A_151 : memref<16384x128xf32, #tpu.memory_space<hbm>>) target(%dma_start3A_146 : memref<128x128xf32, #tpu.memory_space<vmem>>) offsets(%dma_start3A_148 : memref<128xi32, #tpu.memory_space<vmem>>) semaphore(%arg8 : memref<!tpu.dma_semaphore, #tpu.memory_space<semaphore_mem>>)
    %dma_wait3A = arith.constant 0 : i32
    %dma_wait3A_152 = arith.constant 0 : i32
    %dma_wait3A_153 = tpu.memref_slice %arg7[%dma_wait3A, %dma_wait3A_152] : memref<256x128xf32, #tpu.memory_space<vmem>> -> memref<128x128xf32, #tpu.memory_space<vmem>>
    %dma_wait3A_154 = arith.constant 0 : i32
    %dma_wait3A_155 = tpu.memref_slice %arg6[%dma_wait3A_154] : memref<256xi32, #tpu.memory_space<vmem>> -> memref<128xi32, #tpu.memory_space<vmem>>
    %dma_wait3A_156 = arith.constant 0 : i32
    %dma_wait3A_157 = arith.constant 0 : i32
    %dma_wait3A_158 = tpu.memref_slice %arg2[%dma_wait3A_156, %dma_wait3A_157] : memref<16384x128xf32, #tpu.memory_space<hbm>> -> memref<16384x128xf32, #tpu.memory_space<hbm>>
    tpu.wait_indirect_dma semaphore(%arg8 : memref<!tpu.dma_semaphore, #tpu.memory_space<semaphore_mem>>) src(%dma_wait3A_158 : memref<16384x128xf32, #tpu.memory_space<hbm>>) dst(%dma_wait3A_153 : memref<128x128xf32, #tpu.memory_space<vmem>>)
    %add3A_159 = arith.constant 0 : i32
    %add3A_160 = arith.addi %mul3A_2, %add3A_159 : i32
    %dma_start3A_161 = arith.constant 0 : i32
    %dma_start3A_162 = arith.constant 0 : i32
    %dma_start3A_163 = tpu.memref_slice %arg7[%dma_start3A_161, %dma_start3A_162] : memref<256x128xf32, #tpu.memory_space<vmem>> -> memref<128x128xf32, #tpu.memory_space<vmem>>
    %dma_start3A_164 = arith.constant 0 : i32
    %dma_start3A_165 = tpu.memref_slice %arg4[%add3A_160, %dma_start3A_164] : memref<8192x128xf32, #tpu.memory_space<hbm>> -> memref<128x128xf32, #tpu.memory_space<hbm>>
    %dma_start3A_166 = arith.constant 0 : i32
    %dma_start3A_167 = tpu.memref_slice %arg4[%add3A_160, %dma_start3A_166] : memref<8192x128xf32, #tpu.memory_space<hbm>> -> memref<128x128xf32, #tpu.memory_space<hbm>>
    %dma_start3A_168 = arith.constant 0 : i32
    %dma_start3A_169 = arith.constant 0 : i32
    %dma_start3A_170 = tpu.memref_slice %arg7[%dma_start3A_168, %dma_start3A_169] : memref<256x128xf32, #tpu.memory_space<vmem>> -> memref<128x128xf32, #tpu.memory_space<vmem>>
    tpu.enqueue_dma source(%dma_start3A_170 : memref<128x128xf32, #tpu.memory_space<vmem>>) target(%dma_start3A_167 : memref<128x128xf32, #tpu.memory_space<hbm>>) target_semaphore(%arg9 : memref<!tpu.dma_semaphore, #tpu.memory_space<semaphore_mem>>)
    %dma_wait3A_171 = arith.constant 128 : i32
    %dma_wait3A_172 = arith.constant 0 : i32
    %dma_wait3A_173 = tpu.memref_slice %arg7[%dma_wait3A_171, %dma_wait3A_172] : memref<256x128xf32, #tpu.memory_space<vmem>> -> memref<128x128xf32, #tpu.memory_space<vmem>>
    %dma_wait3A_174 = arith.constant 128 : i32
    %dma_wait3A_175 = tpu.memref_slice %arg6[%dma_wait3A_174] : memref<256xi32, #tpu.memory_space<vmem>> -> memref<128xi32, #tpu.memory_space<vmem>>
    %dma_wait3A_176 = arith.constant 0 : i32
    %dma_wait3A_177 = arith.constant 0 : i32
    %dma_wait3A_178 = tpu.memref_slice %arg2[%dma_wait3A_176, %dma_wait3A_177] : memref<16384x128xf32, #tpu.memory_space<hbm>> -> memref<16384x128xf32, #tpu.memory_space<hbm>>
    tpu.wait_indirect_dma semaphore(%arg8 : memref<!tpu.dma_semaphore, #tpu.memory_space<semaphore_mem>>) src(%dma_wait3A_178 : memref<16384x128xf32, #tpu.memory_space<hbm>>) dst(%dma_wait3A_173 : memref<128x128xf32, #tpu.memory_space<vmem>>)
    %add3A_179 = arith.constant 128 : i32
    %add3A_180 = arith.addi %mul3A_2, %add3A_179 : i32
    %dma_start3A_181 = arith.constant 128 : i32
    %dma_start3A_182 = arith.constant 0 : i32
    %dma_start3A_183 = tpu.memref_slice %arg7[%dma_start3A_181, %dma_start3A_182] : memref<256x128xf32, #tpu.memory_space<vmem>> -> memref<128x128xf32, #tpu.memory_space<vmem>>
    %dma_start3A_184 = arith.constant 0 : i32
    %dma_start3A_185 = tpu.memref_slice %arg4[%add3A_180, %dma_start3A_184] : memref<8192x128xf32, #tpu.memory_space<hbm>> -> memref<128x128xf32, #tpu.memory_space<hbm>>
    %dma_start3A_186 = arith.constant 0 : i32
    %dma_start3A_187 = tpu.memref_slice %arg4[%add3A_180, %dma_start3A_186] : memref<8192x128xf32, #tpu.memory_space<hbm>> -> memref<128x128xf32, #tpu.memory_space<hbm>>
    %dma_start3A_188 = arith.constant 128 : i32
    %dma_start3A_189 = arith.constant 0 : i32
    %dma_start3A_190 = tpu.memref_slice %arg7[%dma_start3A_188, %dma_start3A_189] : memref<256x128xf32, #tpu.memory_space<vmem>> -> memref<128x128xf32, #tpu.memory_space<vmem>>
    tpu.enqueue_dma source(%dma_start3A_190 : memref<128x128xf32, #tpu.memory_space<vmem>>) target(%dma_start3A_187 : memref<128x128xf32, #tpu.memory_space<hbm>>) target_semaphore(%arg9 : memref<!tpu.dma_semaphore, #tpu.memory_space<semaphore_mem>>)
    %dma_wait3A_191 = arith.constant 0 : i32
    %dma_wait3A_192 = arith.constant 0 : i32
    %dma_wait3A_193 = tpu.memref_slice %arg7[%dma_wait3A_191, %dma_wait3A_192] : memref<256x128xf32, #tpu.memory_space<vmem>> -> memref<128x128xf32, #tpu.memory_space<vmem>>
    %dma_wait3A_194 = arith.constant 0 : i32
    %dma_wait3A_195 = tpu.memref_slice %arg4[%add3A_160, %dma_wait3A_194] : memref<8192x128xf32, #tpu.memory_space<hbm>> -> memref<128x128xf32, #tpu.memory_space<hbm>>
    %dma_wait3A_196 = arith.constant 0 : i32
    %dma_wait3A_197 = tpu.memref_slice %arg4[%add3A_160, %dma_wait3A_196] : memref<8192x128xf32, #tpu.memory_space<hbm>> -> memref<128x128xf32, #tpu.memory_space<hbm>>
    %dma_wait3A_198 = arith.constant 0 : i32
    %dma_wait3A_199 = arith.constant 0 : i32
    %dma_wait3A_200 = tpu.memref_slice %arg7[%dma_wait3A_198, %dma_wait3A_199] : memref<256x128xf32, #tpu.memory_space<vmem>> -> memref<128x128xf32, #tpu.memory_space<vmem>>
    tpu.wait_dma2 semaphore(%arg9 : memref<!tpu.dma_semaphore, #tpu.memory_space<semaphore_mem>>) src(%dma_wait3A_200 : memref<128x128xf32, #tpu.memory_space<vmem>>) dst(%dma_wait3A_197 : memref<128x128xf32, #tpu.memory_space<hbm>>)
    %dma_wait3A_201 = arith.constant 128 : i32
    %dma_wait3A_202 = arith.constant 0 : i32
    %dma_wait3A_203 = tpu.memref_slice %arg7[%dma_wait3A_201, %dma_wait3A_202] : memref<256x128xf32, #tpu.memory_space<vmem>> -> memref<128x128xf32, #tpu.memory_space<vmem>>
    %dma_wait3A_204 = arith.constant 0 : i32
    %dma_wait3A_205 = tpu.memref_slice %arg4[%add3A_180, %dma_wait3A_204] : memref<8192x128xf32, #tpu.memory_space<hbm>> -> memref<128x128xf32, #tpu.memory_space<hbm>>
    %dma_wait3A_206 = arith.constant 0 : i32
    %dma_wait3A_207 = tpu.memref_slice %arg4[%add3A_180, %dma_wait3A_206] : memref<8192x128xf32, #tpu.memory_space<hbm>> -> memref<128x128xf32, #tpu.memory_space<hbm>>
    %dma_wait3A_208 = arith.constant 128 : i32
    %dma_wait3A_209 = arith.constant 0 : i32
    %dma_wait3A_210 = tpu.memref_slice %arg7[%dma_wait3A_208, %dma_wait3A_209] : memref<256x128xf32, #tpu.memory_space<vmem>> -> memref<128x128xf32, #tpu.memory_space<vmem>>
    tpu.wait_dma2 semaphore(%arg9 : memref<!tpu.dma_semaphore, #tpu.memory_space<semaphore_mem>>) src(%dma_wait3A_210 : memref<128x128xf32, #tpu.memory_space<vmem>>) dst(%dma_wait3A_207 : memref<128x128xf32, #tpu.memory_space<hbm>>)
    return
  }
}

</mosaic_0001>

<sc_bundles>
// kernel: kernel.3.cloned.1.call-start
scs
__scs_entry_jumppad:
0x0: {  	(pc) =	sbr.rel $0x88, $3  }
0x1: {  	(tag) =	ssettag $0x0;
	lr =	simm.s32 $0x1  }
0x2: {  	[smem:$0x3FA0] =	sst lr;
	_ =	strace $0xD0000000  }
0x3: {  	_ = 	snop  }
0x4: {  	_ = 	snop  }
0x5: {  	_ = 	snop  }
0x6: {  	_ = 	snop  }
0x7: {  	_ = 	snop  }
__scs_overlays_trampoline_lowered:
0x8: {  	[smem:$0x3FAF] =	sst s0  }
0x9: {  	[smem:$0x3FB0] =	sst s1  }
0xa: {  	[smem:$0x3FB1] =	sst s2  }
0xb: {  	[smem:$0x3FB2] =	sst s3  }
0xc: {  	[smem:$0x3FB3] =	sst s4  }
0xd: {  	[smem:$0x3FB4] =	sst s5  }
0xe: {  	[smem:$0x3FB5] =	sst s6  }
0xf: {  	[smem:$0x3FB6] =	sst s7  }
0x10: {  	[smem:$0x3FB7] =	sst s8  }
0x11: {  	[smem:$0x3FB8] =	sst s9;
	s0 =	simm.s32 @!p0 $0x0  }
0x12: {  	s1 =	sld [smem:$0x3F9E];
	s0 =	simm.s32 @p0 $0x1  }
0x13: {  	[smem:$0x3FB9] =	sst s0;
	s0 =	simm.s32 @!p1 $0x0  }
0x14: {  	s2 =	sld [smem:$0x3F9D];
	s0 =	simm.s32 @p1 $0x1  }
0x15: {  	[smem:$0x3FBA] =	sst s0;
	s0 =	simm.s32 @!p2 $0x0  }
0x16: {  	s3 =	sld [smem:$0x3FDB];
	s0 =	simm.s32 @p2 $0x1  }
0x17: {  	s4 =	simm.s32 $0x1BF5;
	[smem:$0x3FBC] =	sst s0  }
0x18: {  	s0 =	sld [smem:$0x3F9F];
	_ =	swait.ge [sflag:s4], $0x0  }
0x19: {  	s7 =	sld [smem:$0x3FA0]  }
0x1a: {  	s8 =	sadd.s32 $0xFFFFE003, lr  }
0x1b: {  	s9 =	sadd.s32 $0xFFFFFEF7, lr;
	s5 =	simm.s32 $0xFFFFFFFF;
	p2 =	slt.u32 s8, $0xFFFFF086  }
0x1c: {  	p1 =	slt.u32 s9, $0xF7A;
	s5 =	simm.s32 @!p2 $0x0  }
0x1d: {  	s5 =	simm.s32 @p1 $0x1;
	p0 =	seq.s32 s7, s2  }
0x1e: {  	s7 =	smul.u32 @!p0 $0xF7A, s2;
	p2 =	seq.s32 @!p0 s5, $0x0  }
0x1f: {  	s9 =	smul.u32 $0xF7A, s1;
	s8 =	simm.s32 @!p0 $0x1BF5;
	p2 =	por !p2, p0  }
0x20: {  	[sflag:s8] =	ssyncset.s32 @!p0 $0xFFFFF086;
	s6 =	sadd.s32 @!p0 s3, s7;
	s7 =	simm.s32 @!p0 $0x108  }
0x21: {  	s3 =	sadd.s32 s3, s9;
	s6 =	sadd.s32 @!p0 $0x88, s6;
	s7 =	simm.s32 @p2 $0x1082  }
0x22: {  	[simem:s7], [sflag:s8] =	dma.local @!p0 [hbm:s6], $0xF7A  }
0x23: {  	s9 =	sor.u32 $0xD0000000, s2;
	s6 =	simm.s32 $0x108;
	_ =	swait.ge @!p0 [sflag:s8], $0x0  }
0x24: {  	s3 =	sadd.s32 $0x88, s3;
	s6 =	simm.s32 @!p1 $0x1082;
	[sflag:s4] =	ssyncset.s32 $0xFFFFF086  }
0x25: {  	[simem:s6], [sflag:s4] =	dma.local [hbm:s3], $0xF7A  }
0x26: {  	[smem:$0x3FA0] =	sst s1;
	(tag) =	ssettag s2;
	_ =	strace s9  }
0x27: {  	s1 =	sld [smem:$0x3FB0]  }
0x28: {  	s2 =	sld [smem:$0x3FB1]  }
0x29: {  	s4 =	sld [smem:$0x3FB3]  }
0x2a: {  	p0 =	seq.s32 s5, $0x0;
	s5 =	sld [smem:$0x3FB4]  }
0x2b: {  	s6 =	sld [smem:$0x3FB5]  }
0x2c: {  	s7 =	sld [smem:$0x3FB6]  }
0x2d: {  	s3 =	simm.s32 $0x108;
	s8 =	sld [smem:$0x3FB7]  }
0x2e: {  	s3 =	simm.s32 @!p0 $0x1082;
	s9 =	sld [smem:$0x3FB8]  }
0x2f: {  	lr =	sadd.s32 s0, s3;
	s0 =	sld [smem:$0x3FAF]  }
0x30: {  	s3 =	sld [smem:$0x3FB2]  }
0x31: {  	[smem:$0x3FBB] =	sst s10  }
0x32: {  	s10 =	sld [smem:$0x3FB9];
	_ =	sdelay $0x3  }
0x33: {  	p0 =	seq.s32 s10, $0x1;
	s10 =	sld [smem:$0x3FBB];
	_ =	sdelay $0x3  }
0x34: {  	[smem:$0x3FBB] =	sst s10  }
0x35: {  	s10 =	sld [smem:$0x3FBA];
	_ =	sdelay $0x3  }
0x36: {  	p1 =	seq.s32 s10, $0x1;
	s10 =	sld [smem:$0x3FBB];
	_ =	sdelay $0x3  }
0x37: {  	[smem:$0x3FBB] =	sst s10  }
0x38: {  	s10 =	sld [smem:$0x3FBC]  }
0x39: {  	_ = 	snop;
	(pc) =	sbr.ind lr, $3  }
0x3a: {  	_ = 	snop  }
0x3b: {  	_ = 	snop  }
0x3c: {  	p2 =	seq.s32 s10, $0x1;
	s10 =	sld [smem:$0x3FBB]  }
0x3d: {  	_ =	shalt  }
0x3e: {  	_ =	shalt  }
0x3f: {  	_ =	shalt  }
0x40: {  	_ =	shalt  }
0x41: {  	_ =	shalt  }
0x42: {  	_ =	shalt  }
0x43: {  	_ =	shalt  }
0x44: {  	_ =	shalt  }
0x45: {  	_ =	shalt  }
0x46: {  	_ =	shalt  }
0x47: {  	_ =	shalt  }
0x48: {  	_ =	shalt  }
0x49: {  	_ =	shalt  }
0x4a: {  	_ =	shalt  }
0x4b: {  	_ =	shalt  }
0x4c: {  	_ =	shalt  }
0x4d: {  	_ =	shalt  }
0x4e: {  	_ =	shalt  }
0x4f: {  	_ =	shalt  }
0x50: {  	_ =	shalt  }
0x51: {  	_ =	shalt  }
0x52: {  	_ =	shalt  }
0x53: {  	_ =	shalt  }
0x54: {  	_ =	shalt  }
0x55: {  	_ =	shalt  }
0x56: {  	_ =	shalt  }
0x57: {  	_ =	shalt  }
0x58: {  	_ =	shalt  }
0x59: {  	_ =	shalt  }
0x5a: {  	_ =	shalt  }
0x5b: {  	_ =	shalt  }
0x5c: {  	_ =	shalt  }
0x5d: {  	_ =	shalt  }
0x5e: {  	_ =	shalt  }
0x5f: {  	_ =	shalt  }
0x60: {  	_ =	shalt  }
0x61: {  	_ =	shalt  }
0x62: {  	_ =	shalt  }
0x63: {  	_ =	shalt  }
0x64: {  	_ =	shalt  }
0x65: {  	_ =	shalt  }
0x66: {  	_ =	shalt  }
0x67: {  	_ =	shalt  }
0x68: {  	_ =	shalt  }
0x69: {  	_ =	shalt  }
0x6a: {  	_ =	shalt  }
0x6b: {  	_ =	shalt  }
0x6c: {  	_ =	shalt  }
0x6d: {  	_ =	shalt  }
0x6e: {  	_ =	shalt  }
0x6f: {  	_ =	shalt  }
0x70: {  	_ =	shalt  }
0x71: {  	_ =	shalt  }
0x72: {  	_ =	shalt  }
0x73: {  	_ =	shalt  }
0x74: {  	_ =	shalt  }
0x75: {  	_ =	shalt  }
0x76: {  	_ =	shalt  }
0x77: {  	_ =	shalt  }
0x78: {  	_ =	shalt  }
0x79: {  	_ =	shalt  }
0x7a: {  	_ =	shalt  }
0x7b: {  	_ =	shalt  }
0x7c: {  	_ =	shalt  }
0x7d: {  	_ =	shalt  }
0x7e: {  	_ =	shalt  }
0x7f: {  	_ =	shalt  }
0x80: {  	_ =	shalt  }
0x81: {  	_ =	shalt  }
0x82: {  	_ =	shalt  }
0x83: {  	_ =	shalt  }
0x84: {  	_ =	shalt  }
0x85: {  	_ =	shalt  }
0x86: {  	_ =	shalt  }
0x87: {  	_ =	shalt  }
.Lfunc_end0:
.L_simem_size_0:
called_computation_lowered:
.L_overlay_start_0:
0x88: {  	s2 =	sld [smem:$0x3FD9]  }
0x89: {  	s3 =	sld [smem:$0x3FFE];
	_ =	sdelay $0x1  }
0x8a: {  	s1 =	srdreg.scid  }
0x8b: {  	s0 =	sand.u32 $0x1, s1  }
0x8c: {  	s17 =	sshll.u32 s0, $0xA;
	s2 =	sadd.s32 s3, s2  }
0x8d: {  	s2 =	sadd.s32 s2, s17  }
0x8e: {  	[smem:$0x3FC7] =	sst s2  }
0x8f: {  	_ = 	snop  }
0x90: {  	s2 =	sld [smem:$0x3FC9]  }
0x91: {  	s18 =	sld [smem:$0x3FD0];
	(tm) =	ssettm $0x1  }
0x92: {  	s4 =	sld [smem:$0x3FFB];
	_ =	sdelay $0x3  }
0x93: {  	_ =	strace s4  }
0x94: {  	s4 =	sld [smem:$0x3FFC];
	_ =	sdelay $0x3  }
0x95: {  	_ =	strace s4  }
0x96: {  	s4 =	sld [smem:$0x3FFD];
	_ =	sdelay $0x3  }
0x97: {  	_ =	strace s4  }
0x98: {  	_ =	strace $0x8FFFFFFF  }
0x99: {  	s19 =	sld [smem:$0x3FDB];
	_ =	sdelay $0x1  }
0x9a: {  	s5 =	simm.s32 $_scs_section_size  }
0x9b: {  	s6 =	simm.s32 $_size__tile_overlayer_lowered;
	s7 =	simm.s32 $_tile_overlayer_lowered  }
0x9c: {  	s22 =	simm.s32 $0x1BFF;
	s21 =	sshll.u32 s7, $0x1;
	s4 =	sadd.s32 s5, s19  }
0x9d: {  	s8 =	simm.s32 $0x0;
	s20 =	sshll.u32 s6, $0x1;
	s6 =	sadd.s32 s21, s4  }
0x9e: {  	[timem:s8], [sflag:s22] =	dma.local [hbm:s6], s20  }
0x9f: {  	_ =	swait.ge [sflag:s22], s20  }
0xa0: {  	s5 =	ssub.s32 $0x0, s20;
	[sflag:s22] =	ssyncset.done $0x0  }
0xa1: {  	[sflag:s22] =	ssyncadd.s32 s5;
	_ =	sdelay $0x1  }
0xa2: {  	s23 =	simm.s32 $0x1B8B  }
0xa3: {  	_ =	swait.ge [sflag:s23], $0x1  }
0xa4: {  	[sflag:s23] =	ssyncset.done $0x0  }
0xa5: {  	s25 =	simm.s32 $0x1B8E;
	s24 =	sld [smem:$0x3FFE];
	[sflag:s23] =	ssyncadd.s32 $0xFFFFFFFF  }
0xa6: {  	s26 =	simm.s32 $execute0_lowered;
	[smem:$0x3FD2] =	sst s25  }
0xa7: {  	s6 =	sshll.u32 s26, $0x1;
	_ =	strace $0x80000046;
	[dreg:$0x1] =	wrdreg $0xFFFFFFFF  }
0xa8: {  	s28 =	simm.s32 $_size_execute0_lowered;
	s4 =	sadd.s32 s4, s6;
	[dreg:$0x0] =	wrdreg $0x0  }
0xa9: {  	s6 =	sshll.u32 s28, $0x1;
	[dreg:$0x2] =	wrdreg s4  }
0xaa: {  	[dreg:$0x3] =	wrdreg s6  }
0xab: {  	[dreg:$0x4] =	wrdreg $0xC0  }
0xac: {  	_ =	task [dreg:s8], $0x5FFFF  }
0xad: {  	[dreg:$0x1] =	wrdreg $0xFFFFFFFF  }
0xae: {  	[dreg:$0x0] =	wrdreg $0x60  }
0xaf: {  	[dreg:$0x2] =	wrdreg s2  }
0xb0: {  	[dreg:$0x3] =	wrdreg s24  }
0xb1: {  	[dreg:$0x4] =	wrdreg s18  }
0xb2: {  	[dreg:$0x5] =	wrdreg $0x9  }
0xb3: {  	_ =	task.clear_ibuf [dreg:s8], $0x6FFFF;
	_ =	strace $0x90000046  }
0xb4: {  	s29 =	simm.s32 $0x9;
	_ =	strace $0x80000048  }
0xb5: {  	_ =	swait.ge [sflag:s29], $0x1  }
0xb6: {  	[sflag:s29] =	ssyncadd.s32 $0xFFFFFFFF  }
0xb7: {  	_ =	strace $0x90000048  }
0xb8: {  	_ =	sfence  }
0xb9: {  	s30 =	sld [smem:$0x0];
	_ =	sdelay $0x2  }
0xba: {  	s31 =	sshll.u32 s1, $0xD;
	s1 =	sshrl.u32 s1, $0x2  }
0xbb: {  	s3 =	sand.u32 $0x4000, s31;
	s1 =	sadd.s32 s1, s30  }
0xbc: {  	s0 =	sor.u32 s3, s0;
	s1 =	sshll.u32 s1, $0x11  }
0xbd: {  	s0 =	sor.u32 s1, s0  }
0xbe: {  	s0 =	sadd.s32 $0x8F2B, s0  }
0xbf: {  	[sflag:s0] =	ssyncadd.remote.s32 $0x1  }
0xc0: {  	_ =	sfence.sel $0xFFFF  }
0xc1: {  	[dreg:$0x0] =	wrdreg $0xFFFFFFFF;
	(pc) =	sbr.abs _section_cstart, $3  }
0xc2: {  	[dreg:$0x1] =	wrdreg $0xFFFFFFFF  }
0xc3: {  	_ =	task.clear_ibuf [dreg:s8], $0x2FFFF;
	_ =	strace $0x9FFFFFFF  }
0xc4: {  	(tm) =	ssettm $0x7FFFFFFF  }
0xc5: {  	_ =	shalt  }
tec
execute0_lowered:
.L_overlay_start_1:
0x0: {  	(tag) =	ssettag $0x1  }
0x1: {  	s2 =	rddreg [dreg:$0x0]  }
0x2: {  	s1 =	srdreg.scid;
	s0 =	stileid.u32  }
0x3: {  	s4 =	rddreg [dreg:$0x1];
	s6 =	sand.u32 $0x1, s1;
	s29 =	sshll.u32 s0, $0x1  }
0x4: {  	s7 =	rddreg [dreg:$0x2];
	s8 =	sor.u32 s6, s29  }
0x5: {  	s3 =	simm.s32 $0x0;
	s1 =	rddreg [dreg:$0x3];
	s5 =	sshll.u32 s8, $0x4  }
0x6: {  	[smem:$0x7FF] =	sst s3;
	s4 =	sadd.s32 s5, s4  }
0x7: {  	_ =	strace $0x80000047;
	s5 =	simm.s32 $0x3;
	s4 =	sadd.s32 $0x400, s4  }
0x8: {  	[tilespmem:s3], [sflag:$0x3] =	stream.linear.gather [hbm4b:s4+s3], $0x80, $0x38;
	[tilespmem:$0x8180] =	vst v63  }
0x9: {  	_ =	swait.ge [sflag:s5], $0x80  }
0xa: {  	[sflag:s5] =	ssyncset.done $0x0  }
0xb: {  	[sflag:s5] =	ssyncadd.s32 $0xFFFFFF80  }
0xc: {  	v0 =	vld [tilespmem:$0x70];
	_ =	sdelay $0x1  }
0xd: {  	v1 =	vld [tilespmem:$0x60]  }
0xe: {  	v2 =	vld [tilespmem:$0x20];
	_ =	sdelay $0x1  }
0xf: {  	v3 =	vand.u32 $0xFFFF, v0  }
0x10: {  	v4 =	vld [tilespmem:$0x0];
	v0 =	vshrl.u32 v0, $0x10;
	[tilespmem:$0x160] =	vst v3  }
0x11: {  	v52 =	vld [tilespmem:$0x40];
	v5 =	vand.u32 $0xFFFF, v1;
	[tilespmem:$0x170] =	vst v0  }
0x12: {  	v53 =	vld [tilespmem:$0x10];
	v6 =	vand.u32 $0xFFFF, v2;
	[tilespmem:$0x140] =	vst v5  }
0x13: {  	v1 =	vshrl.u32 v1, $0x10;
	[tilespmem:$0xC0] =	vst v6  }
0x14: {  	v54 =	vld [tilespmem:$0x30];
	v2 =	vshrl.u32 v2, $0x10;
	[tilespmem:$0x150] =	vst v1  }
0x15: {  	v57 =	vld [tilespmem:$0x50];
	v55 =	vshrl.u32 v4, $0x10;
	[tilespmem:$0xD0] =	vst v2  }
0x16: {  	v56 =	vshrl.u32 v52, $0x10;
	[tilespmem:$0x90] =	vst v55  }
0x17: {  	s9 =	ssub.s32 $0x2, s6;
	v58 =	vshrl.u32 v53, $0x10;
	[tilespmem:$0x110] =	vst v56  }
0x18: {  	s31 =	sshrl.u32 s9, $0x1;
	v59 =	vand.u32 $0xFFFF, v52;
	[tilespmem:$0xB0] =	vst v58  }
0x19: {  	s30 =	sshll.u32 s8, $0xC;
	s8 =	ssub.s32 s9, s31;
	v60 =	vshrl.u32 v54, $0x10;
	[tilespmem:$0x100] =	vst v59  }
0x1a: {  	s14 =	smax.u32 s8, $0x1;
	v61 =	vshrl.u32 v57, $0x10;
	[tilespmem:$0xF0] =	vst v60  }
0x1b: {  	p0 =	sne.s32 s14, $0x1;
	v62 =	vand.u32 $0xFFFF, v4;
	[tilespmem:$0x130] =	vst v61  }
.Ltmp0:
0x1c: {  	v63 =	vand.u32 $0xFFFF, v57;
	[tilespmem:$0x80] =	vst v62;
	(pc) =	sbr.rel @!p0 .LBB2_2-.Ltmp0, $4  }
0x1d: {  	s11 =	simm.s32 $0x80;
	s13 =	simm.s32 $0x100;
	s10 =	simm.s32 $0x4180;
	v0 =	vand.u32 $0xFFFF, v53;
	[tilespmem:$0x120] =	vst v63  }
0x1e: {  	s12 =	simm.s32 $0x1;
	s6 =	sadd.s32 s7, s30;
	s9 =	simm.s32 $0x180;
	v1 =	vand.u32 $0xFFFF, v54;
	[tilespmem:$0xA0] =	vst v0  }
0x1f: {  	s7 =	sadd.s32 $0x800, s6;
	s8 =	simm.s32 $0x2;
	s14 =	sadd.s32 $0xFFFFFFFF, s14;
	[tilespmem:$0xE0] =	vst v1  }
0x20: {  	[tilespmem:s9], [sflag:$0x1] =	stream.indirect.gather [hbm4b:s2+s11], $0x80, s11, s11, $0xb8;
	[tilespmem:$0x8180] =	vst v63  }
.LBB2_1:
0x21: {  	p0 =	sne.s32 s14, $0x1;
	s14 =	sadd.s32 $0xFFFFFFFF, s14  }
0x22: {  	[tilespmem:s10], [sflag:$0x1] =	stream.indirect.gather [hbm4b:s2+s11], $0x80, s13, s11, $0xb8;
	[tilespmem:$0x8180] =	vst v63  }
0x23: {  	_ =	swait.ge [sflag:s12], $0x4000  }
0x24: {  	[sflag:s12] =	ssyncset.done $0x0  }
0x25: {  	[sflag:s12] =	ssyncadd.s32 $0xFFFFC000  }
0x26: {  	[hbm4b:s6+s3] =	stream.linear.scatter [tilespmem:s9], [sflag:$0x2], $0x4000, $0x38;
	[tilespmem:$0x8180] =	vst v63  }
0x27: {  	_ =	swait.ge [sflag:s12], $0x4000  }
0x28: {  	[sflag:s12] =	ssyncset.done $0x0  }
0x29: {  	[sflag:s12] =	ssyncadd.s32 $0xFFFFC000  }
0x2a: {  	[hbm4b:s7+s3] =	stream.linear.scatter [tilespmem:s10], [sflag:$0x2], $0x4000, $0x38;
	[tilespmem:$0x8180] =	vst v63  }
0x2b: {  	_ =	swait.ge [sflag:s8], $0x4000  }
0x2c: {  	[sflag:s8] =	ssyncset.done $0x0  }
0x2d: {  	[sflag:s8] =	ssyncadd.s32 $0xFFFFC000  }
0x2e: {  	_ =	swait.ge [sflag:s8], $0x4000  }
0x2f: {  	[sflag:s8] =	ssyncset.done $0x0  }
0x30: {  	[sflag:s8] =	ssyncadd.s32 $0xFFFFC000  }
0x31: {  	[tilespmem:s3], [sflag:$0x3] =	stream.linear.gather [hbm4b:s4+s3], $0x80, $0x38;
	[tilespmem:$0x8180] =	vst v63  }
0x32: {  	_ =	swait.ge [sflag:s5], $0x80  }
0x33: {  	[sflag:s5] =	ssyncset.done $0x0  }
0x34: {  	[sflag:s5] =	ssyncadd.s32 $0xFFFFFF80  }
0x35: {  	v0 =	vld [tilespmem:$0x70]  }
0x36: {  	v1 =	vld [tilespmem:$0x60]  }
0x37: {  	v2 =	vld [tilespmem:$0x10]  }
0x38: {  	v3 =	vld [tilespmem:$0x20]  }
0x39: {  	v4 =	vld [tilespmem:$0x0]  }
0x3a: {  	v5 =	vand.u32 $0xFFFF, v0;
	v0 =	vshrl.u32 v0, $0x10  }
0x3b: {  	v6 =	vld [tilespmem:$0x40];
	v7 =	vand.u32 $0xFFFF, v1;
	v1 =	vshrl.u32 v1, $0x10;
	[tilespmem:$0x160] =	vst v5  }
0x3c: {  	v5 =	vld [tilespmem:$0x30];
	[tilespmem:$0x170] =	vst v0  }
0x3d: {  	v0 =	vand.u32 $0xFFFF, v2;
	v2 =	vshrl.u32 v2, $0x10;
	v8 =	vand.u32 $0xFFFF, v3;
	[tilespmem:$0x140] =	vst v7  }
0x3e: {  	v3 =	vshrl.u32 v3, $0x10;
	v7 =	vand.u32 $0xFFFF, v4;
	v4 =	vshrl.u32 v4, $0x10;
	[tilespmem:$0xC0] =	vst v8  }
0x3f: {  	[tilespmem:$0x150] =	vst v1  }
0x40: {  	[tilespmem:$0xD0] =	vst v3;
	v1 =	vand.u32 $0xFFFF, v6;
	v3 =	vshrl.u32 v6, $0x10;
	v6 =	vld [tilespmem:$0x50]  }
0x41: {  	[tilespmem:$0x90] =	vst v4;
	v4 =	vand.u32 $0xFFFF, v5;
	v5 =	vshrl.u32 v5, $0x10  }
0x42: {  	[tilespmem:$0x110] =	vst v3  }
0x43: {  	[tilespmem:$0xB0] =	vst v2  }
0x44: {  	[tilespmem:$0x100] =	vst v1  }
0x45: {  	[tilespmem:$0xA0] =	vst v0;
	v0 =	vand.u32 $0xFFFF, v6;
	v1 =	vshrl.u32 v6, $0x10  }
0x46: {  	[tilespmem:$0xF0] =	vst v5  }
.Ltmp1:
0x47: {  	[tilespmem:$0x130] =	vst v1;
	(pc) =	sbr.rel @p0 .LBB2_1-.Ltmp1, $4  }
0x48: {  	[tilespmem:$0x80] =	vst v7  }
0x49: {  	[tilespmem:$0x120] =	vst v0  }
0x4a: {  	[tilespmem:$0xE0] =	vst v4  }
0x4b: {  	[tilespmem:s9], [sflag:$0x1] =	stream.indirect.gather [hbm4b:s2+s11], $0x80, s11, s11, $0xb8;
	[tilespmem:$0x8180] =	vst v63  }
.LBB2_2:
0x4c: {  	[tilespmem:s10], [sflag:$0x1] =	stream.indirect.gather [hbm4b:s2+s11], $0x80, s13, s11, $0xb8;
	[tilespmem:$0x8180] =	vst v63  }
0x4d: {  	_ =	swait.ge [sflag:s12], $0x4000  }
0x4e: {  	[sflag:s12] =	ssyncset.done $0x0  }
0x4f: {  	[sflag:s12] =	ssyncadd.s32 $0xFFFFC000  }
0x50: {  	[hbm4b:s6+s3] =	stream.linear.scatter [tilespmem:s9], [sflag:$0x2], $0x4000, $0x38;
	[tilespmem:$0x8180] =	vst v63  }
0x51: {  	_ =	swait.ge [sflag:s12], $0x4000  }
0x52: {  	[sflag:s12] =	ssyncset.done $0x0  }
0x53: {  	[sflag:s12] =	ssyncadd.s32 $0xFFFFC000  }
0x54: {  	[hbm4b:s7+s3] =	stream.linear.scatter [tilespmem:s10], [sflag:$0x2], $0x4000, $0x38;
	[tilespmem:$0x8180] =	vst v63  }
0x55: {  	_ =	swait.ge [sflag:s8], $0x4000  }
0x56: {  	[sflag:s8] =	ssyncset.done $0x0  }
0x57: {  	[sflag:s8] =	ssyncadd.s32 $0xFFFFC000  }
0x58: {  	_ =	swait.ge [sflag:s8], $0x4000  }
0x59: {  	[sflag:s8] =	ssyncset.done $0x0  }
0x5a: {  	[sflag:s8] =	ssyncadd.s32 $0xFFFFC000  }
0x5b: {  	_ =	sfence.sel $0x180000  }
0x5c: {  	[bflag:$0x0] =	sbarrier.arrive $0xFFFF  }
0x5d: {  	p0 =	sne.s32 s0, $0x0;
	_ =	strace $0x90000047  }
0x5e: {  	s0 =	sadd.s32 @!p0 $0x100000, s1;
	[bflag:$0x2] =	sbarrier.arrive $0xFFFF  }
0x5f: {  	[sflag:s0] =	ssyncadd.tile.s32 @!p0 $0x1;
	_ =	shalt  }
.Lfunc_end2:
_tile_overlayer_lowered:
.L_overlay_start_2:
0x60: {  	(tag) =	ssettag $0x2  }
0x61: {  	s0 =	rddreg [dreg:$0x0];
	s2 =	stileid.u32  }
0x62: {  	s1 =	rddreg [dreg:$0x1];
	p0 =	sne.s32 s2, $0x0  }
0x63: {  	s3 =	rddreg [dreg:$0x2];
	[bflag:$0x3] =	sbarrier.arrive $0xFFFF;
	s2 =	simm.s32 @!p0 $0x1C03  }
0x64: {  	[timem:s3], [sflag:s2] =	dma.local @!p0 [hbm:s0], s1  }
0x65: {  	s0 =	simm.s32 @!p0 $0x3  }
0x66: {  	_ =	swait.ge @!p0 [sflag:s0], s1  }
0x67: {  	s1 =	ssub.s32 @!p0 $0x0, s1;
	[sflag:s0] =	ssyncset.done @!p0 $0x0  }
0x68: {  	[sflag:s0] =	ssyncadd.s32 @!p0 s1  }
0x69: {  	[bflag:$0x3] =	sbarrier.arrive $0xFFFF  }
0x6a: {  	_ =	shalt  }

</sc_bundles>
